<compile_context>
chip_gen: v7x
topology: tpu7x:2x2x1
jax: 0.10.2.dev20260603
libtpu: 0.0.44.dev20260713+nightly
codegen_flags: <defaults>
</compile_context>

<pallas_src>
import jax
import jax.numpy as jnp
from jax import lax
from jax.experimental import pallas as pl
from jax.experimental.pallas import tpu as pltpu
from jax.experimental.pallas import tpu_sc as plsc

_NC = 2
_NS = 16
_NW = _NC * _NS

_N = 4 * 8192
_D = 1024
_PER_W = _N // _NW
_C = 32
_NCHUNK = _PER_W // _C
_H = _NCHUNK // 2


def _gather_body(idx_hbm, table_hbm, out_hbm, idx_v, rows0, rows1, sem0, sem1):
    wid = lax.axis_index("s") * _NC + lax.axis_index("c")
    base = wid * _PER_W
    pltpu.sync_copy(idx_hbm.at[wid], idx_v)
    pltpu.async_copy(table_hbm.at[idx_v.at[0]], rows0, sem0)
    pltpu.async_copy(table_hbm.at[idx_v.at[1]], rows1, sem1)

    def pair(i, carry):
        c0 = i * 2
        pltpu.make_async_copy(table_hbm.at[pl.ds(0, _C)], rows0, sem0).wait()
        pltpu.sync_copy(rows0, out_hbm.at[pl.ds(base + c0 * _C, _C)])

        @pl.when(i < _H - 1)
        def _():
            pltpu.async_copy(table_hbm.at[idx_v.at[c0 + 2]], rows0, sem0)

        pltpu.make_async_copy(table_hbm.at[pl.ds(0, _C)], rows1, sem1).wait()
        pltpu.sync_copy(rows1, out_hbm.at[pl.ds(base + (c0 + 1) * _C, _C)])

        @pl.when(i < _H - 1)
        def _():
            pltpu.async_copy(table_hbm.at[idx_v.at[c0 + 3]], rows1, sem1)

        return carry

    lax.fori_loop(0, _H, pair, 0)


@jax.jit
def _sc_gather(idx, table):
    mesh = plsc.VectorSubcoreMesh(core_axis_name="c", subcore_axis_name="s")
    return pl.kernel(
        _gather_body,
        out_type=jax.ShapeDtypeStruct((_N, _D), jnp.float32),
        mesh=mesh,
        scratch_types=[
            pltpu.VMEM((_NCHUNK, _C), jnp.int32),
            pltpu.VMEM((_C, _D), jnp.float32),
            pltpu.VMEM((_C, _D), jnp.float32),
            pltpu.SemaphoreType.DMA,
            pltpu.SemaphoreType.DMA,
        ],
    )(idx, table)


def kernel(position_ids, table):
    idx = position_ids.astype(jnp.int32).reshape(_NW, _NCHUNK, _C)
    out = _sc_gather(idx, table)
    return out.reshape(position_ids.shape + (table.shape[1],))

# --- scband reference (transcript-rebuilt; emitter-appended) ---
"""Pipeline reference for scband-absolute-position-embedding-26499948216364 (READ-ONLY COPY).

The authoritative reference and input builder live on the scoring server;
editing this copy changes nothing except your own understanding.
"""

import jax, jax.numpy as jnp
import numpy as np


def setup_inputs(seed: int = 0) -> dict:
    key = jax.random.key(seed)
    k1, k2 = jax.random.split(key)
    position_ids = jax.random.randint(k1, (4, 8192), 0, 8192, dtype=jnp.int64 if jax.config.jax_enable_x64 else jnp.int32)
    # learned embedding table: nn.Embedding(block_size=8192, embed_size=1024)
    table = jax.random.normal(k2, (8192, 1024), dtype=jnp.float32)
    return {"position_ids": position_ids, "table": table}


def reference(position_ids, table):
    # AbsolutePositionEmbedding.forward: self.embedding(position_ids)
    return jnp.take(table, position_ids, axis=0)

if __name__ == "__main__":
    import jax
    _d = setup_inputs()
    print(jax.jit(kernel)(*tuple(_d.values())))

</pallas_src>

<mosaic_0001>
#map = affine_map<(d0, d1) -> (0, 0, 0)>
#map1 = affine_map<(d0, d1) -> (0, 0)>
module attributes {stable_mosaic.version = 14 : i64} {
  func.func @_gather_body(%arg0: i32, %arg1: i32, %arg2: memref<32x32x32xi32, #tpu.memory_space<hbm>>, %arg3: memref<8192x1024xf32, #tpu.memory_space<hbm>>, %arg4: memref<32768x1024xf32, #tpu.memory_space<hbm>>, %arg5: memref<32x32xi32, #tpu.memory_space<vmem>>, %arg6: memref<32x1024xf32, #tpu.memory_space<vmem>>, %arg7: memref<32x1024xf32, #tpu.memory_space<vmem>>, %arg8: memref<!tpu.dma_semaphore, #tpu.memory_space<semaphore_mem>>, %arg9: memref<!tpu.dma_semaphore, #tpu.memory_space<semaphore_mem>>) attributes {dimension_semantics = [#tpu.dimension_semantics<core_parallel>, #tpu.dimension_semantics<subcore_parallel>], iteration_bounds = array<i64: 2, 16>, scalar_prefetch = 0 : i64, scratch_operands = 5 : i64, tpu.core_type = #tpu.core_type<sc_vector_subcore>, window_params = [{transform_indices = #map}, {transform_indices = #map1}, {transform_indices = #map1}]} {
    %mul3A = arith.constant 2 : i32
    %mul3A_0 = arith.muli %arg1, %mul3A : i32
    %add3A = arith.addi %mul3A_0, %arg0 : i32
    %mul3A_1 = arith.constant 1024 : i32
    %mul3A_2 = arith.muli %add3A, %mul3A_1 : i32
    "tpu.region"() ({
      %run_scoped3A = tpu.sem_alloc : memref<!tpu.dma_semaphore, #tpu.memory_space<semaphore_mem>>
      %dma_start3A_21 = arith.constant 0 : i32
      %dma_start3A_22 = arith.constant 0 : i32
      %dma_start3A_23 = tpu.memref_slice %arg2[%add3A, %dma_start3A_21, %dma_start3A_22] : memref<32x32x32xi32, #tpu.memory_space<hbm>> -> memref<1x32x32xi32, #tpu.memory_space<hbm>>
      %dma_start3A_24 = tpu.memref_squeeze %dma_start3A_23 : memref<1x32x32xi32, #tpu.memory_space<hbm>> -> memref<32x32xi32, #tpu.memory_space<hbm>>
      %dma_start3A_25 = arith.constant 0 : i32
      %dma_start3A_26 = arith.constant 0 : i32
      %dma_start3A_27 = tpu.memref_slice %arg2[%add3A, %dma_start3A_25, %dma_start3A_26] : memref<32x32x32xi32, #tpu.memory_space<hbm>> -> memref<1x32x32xi32, #tpu.memory_space<hbm>>
      %dma_start3A_28 = tpu.memref_squeeze %dma_start3A_27 : memref<1x32x32xi32, #tpu.memory_space<hbm>> -> memref<32x32xi32, #tpu.memory_space<hbm>>
      tpu.enqueue_dma source(%dma_start3A_28 : memref<32x32xi32, #tpu.memory_space<hbm>>) target(%arg5 : memref<32x32xi32, #tpu.memory_space<vmem>>) target_semaphore(%run_scoped3A : memref<!tpu.dma_semaphore, #tpu.memory_space<semaphore_mem>>)
      %dma_wait3A = arith.constant 0 : i32
      %dma_wait3A_29 = arith.constant 0 : i32
      %dma_wait3A_30 = tpu.memref_slice %arg2[%add3A, %dma_wait3A, %dma_wait3A_29] : memref<32x32x32xi32, #tpu.memory_space<hbm>> -> memref<1x32x32xi32, #tpu.memory_space<hbm>>
      %dma_wait3A_31 = tpu.memref_squeeze %dma_wait3A_30 : memref<1x32x32xi32, #tpu.memory_space<hbm>> -> memref<32x32xi32, #tpu.memory_space<hbm>>
      %dma_wait3A_32 = arith.constant 0 : i32
      %dma_wait3A_33 = arith.constant 0 : i32
      %dma_wait3A_34 = tpu.memref_slice %arg2[%add3A, %dma_wait3A_32, %dma_wait3A_33] : memref<32x32x32xi32, #tpu.memory_space<hbm>> -> memref<1x32x32xi32, #tpu.memory_space<hbm>>
      %dma_wait3A_35 = tpu.memref_squeeze %dma_wait3A_34 : memref<1x32x32xi32, #tpu.memory_space<hbm>> -> memref<32x32xi32, #tpu.memory_space<hbm>>
      tpu.wait_dma2 semaphore(%run_scoped3A : memref<!tpu.dma_semaphore, #tpu.memory_space<semaphore_mem>>) src(%dma_wait3A_35 : memref<32x32xi32, #tpu.memory_space<hbm>>) dst(%arg5 : memref<32x32xi32, #tpu.memory_space<vmem>>)
      tpu.yield
    }) : () -> ()
    %dma_start3A = arith.constant 0 : i32
    %dma_start3A_3 = arith.constant 0 : i32
    %dma_start3A_4 = tpu.memref_slice %arg5[%dma_start3A, %dma_start3A_3] : memref<32x32xi32, #tpu.memory_space<vmem>> -> memref<1x32xi32, #tpu.memory_space<vmem>>
    %dma_start3A_5 = tpu.memref_squeeze %dma_start3A_4 : memref<1x32xi32, #tpu.memory_space<vmem>> -> memref<32xi32, #tpu.memory_space<vmem>>
    %dma_start3A_6 = arith.constant 0 : i32
    %dma_start3A_7 = arith.constant 0 : i32
    %dma_start3A_8 = tpu.memref_slice %arg3[%dma_start3A_6, %dma_start3A_7] : memref<8192x1024xf32, #tpu.memory_space<hbm>> -> memref<8192x1024xf32, #tpu.memory_space<hbm>>
    tpu.enqueue_indirect_dma source(%dma_start3A_8 : memref<8192x1024xf32, #tpu.memory_space<hbm>>) target(%arg6 : memref<32x1024xf32, #tpu.memory_space<vmem>>) offsets(%dma_start3A_5 : memref<32xi32, #tpu.memory_space<vmem>>) semaphore(%arg8 : memref<!tpu.dma_semaphore, #tpu.memory_space<semaphore_mem>>)
    %dma_start3A_9 = arith.constant 1 : i32
    %dma_start3A_10 = arith.constant 0 : i32
    %dma_start3A_11 = tpu.memref_slice %arg5[%dma_start3A_9, %dma_start3A_10] : memref<32x32xi32, #tpu.memory_space<vmem>> -> memref<1x32xi32, #tpu.memory_space<vmem>>
    %dma_start3A_12 = tpu.memref_squeeze %dma_start3A_11 : memref<1x32xi32, #tpu.memory_space<vmem>> -> memref<32xi32, #tpu.memory_space<vmem>>
    %dma_start3A_13 = arith.constant 0 : i32
    %dma_start3A_14 = arith.constant 0 : i32
    %dma_start3A_15 = tpu.memref_slice %arg3[%dma_start3A_13, %dma_start3A_14] : memref<8192x1024xf32, #tpu.memory_space<hbm>> -> memref<8192x1024xf32, #tpu.memory_space<hbm>>
    tpu.enqueue_indirect_dma source(%dma_start3A_15 : memref<8192x1024xf32, #tpu.memory_space<hbm>>) target(%arg7 : memref<32x1024xf32, #tpu.memory_space<vmem>>) offsets(%dma_start3A_12 : memref<32xi32, #tpu.memory_space<vmem>>) semaphore(%arg9 : memref<!tpu.dma_semaphore, #tpu.memory_space<semaphore_mem>>)
    %scan3A = arith.constant 0 : i32
    %scan3A_16 = arith.constant 0 : i32
    %scan3A_17 = arith.constant 16 : i32
    %scan3A_18 = arith.addi %scan3A_16, %scan3A_17 : i32
    %scan3A_19 = arith.constant 1 : i32
    scf.for %scan3A_21 = %scan3A_16 to %scan3A_18 step %scan3A_19  : i32 {
      %mul3A_22 = arith.constant 2 : i32
      %mul3A_23 = arith.muli %scan3A_21, %mul3A_22 : i32
      %dma_wait3A = arith.constant 0 : i32
      %dma_wait3A_24 = arith.constant 0 : i32
      %dma_wait3A_25 = tpu.memref_slice %arg3[%dma_wait3A, %dma_wait3A_24] : memref<8192x1024xf32, #tpu.memory_space<hbm>> -> memref<32x1024xf32, #tpu.memory_space<hbm>>
      %dma_wait3A_26 = arith.constant 0 : i32
      %dma_wait3A_27 = arith.constant 0 : i32
      %dma_wait3A_28 = tpu.memref_slice %arg3[%dma_wait3A_26, %dma_wait3A_27] : memref<8192x1024xf32, #tpu.memory_space<hbm>> -> memref<32x1024xf32, #tpu.memory_space<hbm>>
      tpu.wait_dma2 semaphore(%arg8 : memref<!tpu.dma_semaphore, #tpu.memory_space<semaphore_mem>>) src(%dma_wait3A_28 : memref<32x1024xf32, #tpu.memory_space<hbm>>) dst(%arg6 : memref<32x1024xf32, #tpu.memory_space<vmem>>)
      %mul3A_29 = arith.constant 32 : i32
      %mul3A_30 = arith.muli %mul3A_23, %mul3A_29 : i32
      %add3A_31 = arith.addi %mul3A_2, %mul3A_30 : i32
      "tpu.region"() ({
        %run_scoped3A = tpu.sem_alloc : memref<!tpu.dma_semaphore, #tpu.memory_space<semaphore_mem>>
        %dma_start3A_50 = arith.constant 0 : i32
        %dma_start3A_51 = tpu.memref_slice %arg4[%add3A_31, %dma_start3A_50] : memref<32768x1024xf32, #tpu.memory_space<hbm>> -> memref<32x1024xf32, #tpu.memory_space<hbm>>
        %dma_start3A_52 = arith.constant 0 : i32
        %dma_start3A_53 = tpu.memref_slice %arg4[%add3A_31, %dma_start3A_52] : memref<32768x1024xf32, #tpu.memory_space<hbm>> -> memref<32x1024xf32, #tpu.memory_space<hbm>>
        tpu.enqueue_dma source(%arg6 : memref<32x1024xf32, #tpu.memory_space<vmem>>) target(%dma_start3A_53 : memref<32x1024xf32, #tpu.memory_space<hbm>>) target_semaphore(%run_scoped3A : memref<!tpu.dma_semaphore, #tpu.memory_space<semaphore_mem>>)
        %dma_wait3A_54 = arith.constant 0 : i32
        %dma_wait3A_55 = tpu.memref_slice %arg4[%add3A_31, %dma_wait3A_54] : memref<32768x1024xf32, #tpu.memory_space<hbm>> -> memref<32x1024xf32, #tpu.memory_space<hbm>>
        %dma_wait3A_56 = arith.constant 0 : i32
        %dma_wait3A_57 = tpu.memref_slice %arg4[%add3A_31, %dma_wait3A_56] : memref<32768x1024xf32, #tpu.memory_space<hbm>> -> memref<32x1024xf32, #tpu.memory_space<hbm>>
        tpu.wait_dma2 semaphore(%run_scoped3A : memref<!tpu.dma_semaphore, #tpu.memory_space<semaphore_mem>>) src(%arg6 : memref<32x1024xf32, #tpu.memory_space<vmem>>) dst(%dma_wait3A_57 : memref<32x1024xf32, #tpu.memory_space<hbm>>)
        tpu.yield
      }) : () -> ()
      %lt3A = arith.constant 15 : i32
      %lt3A_32 = arith.cmpi slt, %scan3A_21, %lt3A : i32
      %convert_element_type3A = arith.extui %lt3A_32 : i1 to i32
      %cond3A = arith.constant 0 : i32
      %cond3A_33 = arith.cmpi ne, %convert_element_type3A, %cond3A : i32
      scf.if %cond3A_33 {
        %add3A_50 = arith.constant 2 : i32
        %add3A_51 = arith.addi %mul3A_23, %add3A_50 : i32
        %dma_start3A_52 = arith.constant 0 : i32
        %dma_start3A_53 = tpu.memref_slice %arg5[%add3A_51, %dma_start3A_52] : memref<32x32xi32, #tpu.memory_space<vmem>> -> memref<1x32xi32, #tpu.memory_space<vmem>>
        %dma_start3A_54 = tpu.memref_squeeze %dma_start3A_53 : memref<1x32xi32, #tpu.memory_space<vmem>> -> memref<32xi32, #tpu.memory_space<vmem>>
        %dma_start3A_55 = arith.constant 0 : i32
        %dma_start3A_56 = arith.constant 0 : i32
        %dma_start3A_57 = tpu.memref_slice %arg3[%dma_start3A_55, %dma_start3A_56] : memref<8192x1024xf32, #tpu.memory_space<hbm>> -> memref<8192x1024xf32, #tpu.memory_space<hbm>>
        tpu.enqueue_indirect_dma source(%dma_start3A_57 : memref<8192x1024xf32, #tpu.memory_space<hbm>>) target(%arg6 : memref<32x1024xf32, #tpu.memory_space<vmem>>) offsets(%dma_start3A_54 : memref<32xi32, #tpu.memory_space<vmem>>) semaphore(%arg8 : memref<!tpu.dma_semaphore, #tpu.memory_space<semaphore_mem>>)
      } else {
      }
      %dma_wait3A_34 = arith.constant 0 : i32
      %dma_wait3A_35 = arith.constant 0 : i32
      %dma_wait3A_36 = tpu.memref_slice %arg3[%dma_wait3A_34, %dma_wait3A_35] : memref<8192x1024xf32, #tpu.memory_space<hbm>> -> memref<32x1024xf32, #tpu.memory_space<hbm>>
      %dma_wait3A_37 = arith.constant 0 : i32
      %dma_wait3A_38 = arith.constant 0 : i32
      %dma_wait3A_39 = tpu.memref_slice %arg3[%dma_wait3A_37, %dma_wait3A_38] : memref<8192x1024xf32, #tpu.memory_space<hbm>> -> memref<32x1024xf32, #tpu.memory_space<hbm>>
      tpu.wait_dma2 semaphore(%arg9 : memref<!tpu.dma_semaphore, #tpu.memory_space<semaphore_mem>>) src(%dma_wait3A_39 : memref<32x1024xf32, #tpu.memory_space<hbm>>) dst(%arg7 : memref<32x1024xf32, #tpu.memory_space<vmem>>)
      %add3A_40 = arith.constant 1 : i32
      %add3A_41 = arith.addi %mul3A_23, %add3A_40 : i32
      %mul3A_42 = arith.constant 32 : i32
      %mul3A_43 = arith.muli %add3A_41, %mul3A_42 : i32
      %add3A_44 = arith.addi %mul3A_2, %mul3A_43 : i32
      "tpu.region"() ({
        %run_scoped3A = tpu.sem_alloc : memref<!tpu.dma_semaphore, #tpu.memory_space<semaphore_mem>>
        %dma_start3A_50 = arith.constant 0 : i32
        %dma_start3A_51 = tpu.memref_slice %arg4[%add3A_44, %dma_start3A_50] : memref<32768x1024xf32, #tpu.memory_space<hbm>> -> memref<32x1024xf32, #tpu.memory_space<hbm>>
        %dma_start3A_52 = arith.constant 0 : i32
        %dma_start3A_53 = tpu.memref_slice %arg4[%add3A_44, %dma_start3A_52] : memref<32768x1024xf32, #tpu.memory_space<hbm>> -> memref<32x1024xf32, #tpu.memory_space<hbm>>
        tpu.enqueue_dma source(%arg7 : memref<32x1024xf32, #tpu.memory_space<vmem>>) target(%dma_start3A_53 : memref<32x1024xf32, #tpu.memory_space<hbm>>) target_semaphore(%run_scoped3A : memref<!tpu.dma_semaphore, #tpu.memory_space<semaphore_mem>>)
        %dma_wait3A_54 = arith.constant 0 : i32
        %dma_wait3A_55 = tpu.memref_slice %arg4[%add3A_44, %dma_wait3A_54] : memref<32768x1024xf32, #tpu.memory_space<hbm>> -> memref<32x1024xf32, #tpu.memory_space<hbm>>
        %dma_wait3A_56 = arith.constant 0 : i32
        %dma_wait3A_57 = tpu.memref_slice %arg4[%add3A_44, %dma_wait3A_56] : memref<32768x1024xf32, #tpu.memory_space<hbm>> -> memref<32x1024xf32, #tpu.memory_space<hbm>>
        tpu.wait_dma2 semaphore(%run_scoped3A : memref<!tpu.dma_semaphore, #tpu.memory_space<semaphore_mem>>) src(%arg7 : memref<32x1024xf32, #tpu.memory_space<vmem>>) dst(%dma_wait3A_57 : memref<32x1024xf32, #tpu.memory_space<hbm>>)
        tpu.yield
      }) : () -> ()
      %lt3A_45 = arith.constant 15 : i32
      %lt3A_46 = arith.cmpi slt, %scan3A_21, %lt3A_45 : i32
      %convert_element_type3A_47 = arith.extui %lt3A_46 : i1 to i32
      %cond3A_48 = arith.constant 0 : i32
      %cond3A_49 = arith.cmpi ne, %convert_element_type3A_47, %cond3A_48 : i32
      scf.if %cond3A_49 {
        %add3A_50 = arith.constant 3 : i32
        %add3A_51 = arith.addi %mul3A_23, %add3A_50 : i32
        %dma_start3A_52 = arith.constant 0 : i32
        %dma_start3A_53 = tpu.memref_slice %arg5[%add3A_51, %dma_start3A_52] : memref<32x32xi32, #tpu.memory_space<vmem>> -> memref<1x32xi32, #tpu.memory_space<vmem>>
        %dma_start3A_54 = tpu.memref_squeeze %dma_start3A_53 : memref<1x32xi32, #tpu.memory_space<vmem>> -> memref<32xi32, #tpu.memory_space<vmem>>
        %dma_start3A_55 = arith.constant 0 : i32
        %dma_start3A_56 = arith.constant 0 : i32
        %dma_start3A_57 = tpu.memref_slice %arg3[%dma_start3A_55, %dma_start3A_56] : memref<8192x1024xf32, #tpu.memory_space<hbm>> -> memref<8192x1024xf32, #tpu.memory_space<hbm>>
        tpu.enqueue_indirect_dma source(%dma_start3A_57 : memref<8192x1024xf32, #tpu.memory_space<hbm>>) target(%arg7 : memref<32x1024xf32, #tpu.memory_space<vmem>>) offsets(%dma_start3A_54 : memref<32xi32, #tpu.memory_space<vmem>>) semaphore(%arg9 : memref<!tpu.dma_semaphore, #tpu.memory_space<semaphore_mem>>)
      } else {
      }
    }
    %scan3A_20 = arith.constant 16 : i32
    return
  }
}

</mosaic_0001>

<sc_bundles>
// kernel: _sc_gather.3.cloned.1.call-start
scs
__scs_entry_jumppad:
0x0: {  	(pc) =	sbr.rel $0x88, $3  }
0x1: {  	(tag) =	ssettag $0x0;
	lr =	simm.s32 $0x1  }
0x2: {  	[smem:$0x3F9F] =	sst lr;
	_ =	strace $0xD0000000  }
0x3: {  	_ = 	snop  }
0x4: {  	_ = 	snop  }
0x5: {  	_ = 	snop  }
0x6: {  	_ = 	snop  }
0x7: {  	_ = 	snop  }
__scs_overlays_trampoline_lowered:
0x8: {  	[smem:$0x3FAE] =	sst s0  }
0x9: {  	[smem:$0x3FAF] =	sst s1  }
0xa: {  	[smem:$0x3FB0] =	sst s2  }
0xb: {  	[smem:$0x3FB1] =	sst s3  }
0xc: {  	[smem:$0x3FB2] =	sst s4  }
0xd: {  	[smem:$0x3FB3] =	sst s5  }
0xe: {  	[smem:$0x3FB4] =	sst s6  }
0xf: {  	[smem:$0x3FB5] =	sst s7  }
0x10: {  	[smem:$0x3FB6] =	sst s8  }
0x11: {  	[smem:$0x3FB7] =	sst s9;
	s0 =	simm.s32 @!p0 $0x0  }
0x12: {  	s1 =	sld [smem:$0x3F9D];
	s0 =	simm.s32 @p0 $0x1  }
0x13: {  	[smem:$0x3FB8] =	sst s0;
	s0 =	simm.s32 @!p1 $0x0  }
0x14: {  	s2 =	sld [smem:$0x3F9C];
	s0 =	simm.s32 @p1 $0x1  }
0x15: {  	[smem:$0x3FB9] =	sst s0;
	s0 =	simm.s32 @!p2 $0x0  }
0x16: {  	s3 =	sld [smem:$0x3FDB];
	s0 =	simm.s32 @p2 $0x1  }
0x17: {  	s4 =	simm.s32 $0x1BF5;
	[smem:$0x3FBB] =	sst s0  }
0x18: {  	s0 =	sld [smem:$0x3F9E];
	_ =	swait.ge [sflag:s4], $0x0  }
0x19: {  	s7 =	sld [smem:$0x3F9F]  }
0x1a: {  	s8 =	sadd.s32 $0xFFFFE003, lr  }
0x1b: {  	s9 =	sadd.s32 $0xFFFFFEF7, lr;
	s5 =	simm.s32 $0xFFFFFFFF;
	p2 =	slt.u32 s8, $0xFFFFF086  }
0x1c: {  	p1 =	slt.u32 s9, $0xF7A;
	s5 =	simm.s32 @!p2 $0x0  }
0x1d: {  	s5 =	simm.s32 @p1 $0x1;
	p0 =	seq.s32 s7, s2  }
0x1e: {  	s7 =	smul.u32 @!p0 $0xF7A, s2;
	p2 =	seq.s32 @!p0 s5, $0x0  }
0x1f: {  	s9 =	smul.u32 $0xF7A, s1;
	s8 =	simm.s32 @!p0 $0x1BF5;
	p2 =	por !p2, p0  }
0x20: {  	[sflag:s8] =	ssyncset.s32 @!p0 $0xFFFFF086;
	s6 =	sadd.s32 @!p0 s3, s7;
	s7 =	simm.s32 @!p0 $0x108  }
0x21: {  	s3 =	sadd.s32 s3, s9;
	s6 =	sadd.s32 @!p0 $0x88, s6;
	s7 =	simm.s32 @p2 $0x1082  }
0x22: {  	[simem:s7], [sflag:s8] =	dma.local @!p0 [hbm:s6], $0xF7A  }
0x23: {  	s9 =	sor.u32 $0xD0000000, s2;
	s6 =	simm.s32 $0x108;
	_ =	swait.ge @!p0 [sflag:s8], $0x0  }
0x24: {  	s3 =	sadd.s32 $0x88, s3;
	s6 =	simm.s32 @!p1 $0x1082;
	[sflag:s4] =	ssyncset.s32 $0xFFFFF086  }
0x25: {  	[simem:s6], [sflag:s4] =	dma.local [hbm:s3], $0xF7A  }
0x26: {  	[smem:$0x3F9F] =	sst s1;
	(tag) =	ssettag s2;
	_ =	strace s9  }
0x27: {  	s1 =	sld [smem:$0x3FAF]  }
0x28: {  	s2 =	sld [smem:$0x3FB0]  }
0x29: {  	s4 =	sld [smem:$0x3FB2]  }
0x2a: {  	p0 =	seq.s32 s5, $0x0;
	s5 =	sld [smem:$0x3FB3]  }
0x2b: {  	s6 =	sld [smem:$0x3FB4]  }
0x2c: {  	s7 =	sld [smem:$0x3FB5]  }
0x2d: {  	s3 =	simm.s32 $0x108;
	s8 =	sld [smem:$0x3FB6]  }
0x2e: {  	s3 =	simm.s32 @!p0 $0x1082;
	s9 =	sld [smem:$0x3FB7]  }
0x2f: {  	lr =	sadd.s32 s0, s3;
	s0 =	sld [smem:$0x3FAE]  }
0x30: {  	s3 =	sld [smem:$0x3FB1]  }
0x31: {  	[smem:$0x3FBA] =	sst s10  }
0x32: {  	s10 =	sld [smem:$0x3FB8];
	_ =	sdelay $0x3  }
0x33: {  	p0 =	seq.s32 s10, $0x1;
	s10 =	sld [smem:$0x3FBA];
	_ =	sdelay $0x3  }
0x34: {  	[smem:$0x3FBA] =	sst s10  }
0x35: {  	s10 =	sld [smem:$0x3FB9];
	_ =	sdelay $0x3  }
0x36: {  	p1 =	seq.s32 s10, $0x1;
	s10 =	sld [smem:$0x3FBA];
	_ =	sdelay $0x3  }
0x37: {  	[smem:$0x3FBA] =	sst s10  }
0x38: {  	s10 =	sld [smem:$0x3FBB]  }
0x39: {  	_ = 	snop;
	(pc) =	sbr.ind lr, $3  }
0x3a: {  	_ = 	snop  }
0x3b: {  	_ = 	snop  }
0x3c: {  	p2 =	seq.s32 s10, $0x1;
	s10 =	sld [smem:$0x3FBA]  }
0x3d: {  	_ =	shalt  }
0x3e: {  	_ =	shalt  }
0x3f: {  	_ =	shalt  }
0x40: {  	_ =	shalt  }
0x41: {  	_ =	shalt  }
0x42: {  	_ =	shalt  }
0x43: {  	_ =	shalt  }
0x44: {  	_ =	shalt  }
0x45: {  	_ =	shalt  }
0x46: {  	_ =	shalt  }
0x47: {  	_ =	shalt  }
0x48: {  	_ =	shalt  }
0x49: {  	_ =	shalt  }
0x4a: {  	_ =	shalt  }
0x4b: {  	_ =	shalt  }
0x4c: {  	_ =	shalt  }
0x4d: {  	_ =	shalt  }
0x4e: {  	_ =	shalt  }
0x4f: {  	_ =	shalt  }
0x50: {  	_ =	shalt  }
0x51: {  	_ =	shalt  }
0x52: {  	_ =	shalt  }
0x53: {  	_ =	shalt  }
0x54: {  	_ =	shalt  }
0x55: {  	_ =	shalt  }
0x56: {  	_ =	shalt  }
0x57: {  	_ =	shalt  }
0x58: {  	_ =	shalt  }
0x59: {  	_ =	shalt  }
0x5a: {  	_ =	shalt  }
0x5b: {  	_ =	shalt  }
0x5c: {  	_ =	shalt  }
0x5d: {  	_ =	shalt  }
0x5e: {  	_ =	shalt  }
0x5f: {  	_ =	shalt  }
0x60: {  	_ =	shalt  }
0x61: {  	_ =	shalt  }
0x62: {  	_ =	shalt  }
0x63: {  	_ =	shalt  }
0x64: {  	_ =	shalt  }
0x65: {  	_ =	shalt  }
0x66: {  	_ =	shalt  }
0x67: {  	_ =	shalt  }
0x68: {  	_ =	shalt  }
0x69: {  	_ =	shalt  }
0x6a: {  	_ =	shalt  }
0x6b: {  	_ =	shalt  }
0x6c: {  	_ =	shalt  }
0x6d: {  	_ =	shalt  }
0x6e: {  	_ =	shalt  }
0x6f: {  	_ =	shalt  }
0x70: {  	_ =	shalt  }
0x71: {  	_ =	shalt  }
0x72: {  	_ =	shalt  }
0x73: {  	_ =	shalt  }
0x74: {  	_ =	shalt  }
0x75: {  	_ =	shalt  }
0x76: {  	_ =	shalt  }
0x77: {  	_ =	shalt  }
0x78: {  	_ =	shalt  }
0x79: {  	_ =	shalt  }
0x7a: {  	_ =	shalt  }
0x7b: {  	_ =	shalt  }
0x7c: {  	_ =	shalt  }
0x7d: {  	_ =	shalt  }
0x7e: {  	_ =	shalt  }
0x7f: {  	_ =	shalt  }
0x80: {  	_ =	shalt  }
0x81: {  	_ =	shalt  }
0x82: {  	_ =	shalt  }
0x83: {  	_ =	shalt  }
0x84: {  	_ =	shalt  }
0x85: {  	_ =	shalt  }
0x86: {  	_ =	shalt  }
0x87: {  	_ =	shalt  }
.Lfunc_end0:
.L_simem_size_0:
called_computation_lowered:
.L_overlay_start_0:
0x88: {  	s2 =	sld [smem:$0x3FD9]  }
0x89: {  	s3 =	sld [smem:$0x3FFE];
	_ =	sdelay $0x1  }
0x8a: {  	s1 =	srdreg.scid  }
0x8b: {  	s0 =	sand.u32 $0x1, s1  }
0x8c: {  	s18 =	sshll.u32 s0, $0xA;
	s2 =	sadd.s32 s3, s2  }
0x8d: {  	s2 =	sadd.s32 s2, s18  }
0x8e: {  	[smem:$0x3FC6] =	sst s2  }
0x8f: {  	_ = 	snop  }
0x90: {  	s2 =	sld [smem:$0x3FC9]  }
0x91: {  	s19 =	sld [smem:$0x3FC8]  }
0x92: {  	s4 =	sld [smem:$0x3FD0];
	(tm) =	ssettm $0x1  }
0x93: {  	s5 =	sld [smem:$0x3FFB];
	_ =	sdelay $0x3  }
0x94: {  	_ =	strace s5  }
0x95: {  	s5 =	sld [smem:$0x3FFC];
	_ =	sdelay $0x3  }
0x96: {  	_ =	strace s5  }
0x97: {  	s5 =	sld [smem:$0x3FFD];
	_ =	sdelay $0x3  }
0x98: {  	_ =	strace s5  }
0x99: {  	_ =	strace $0x8FFFFFFF  }
0x9a: {  	s20 =	sld [smem:$0x3FDB];
	_ =	sdelay $0x1  }
0x9b: {  	s6 =	simm.s32 $_scs_section_size  }
0x9c: {  	s7 =	simm.s32 $_size__tile_overlayer_lowered;
	s8 =	simm.s32 $_tile_overlayer_lowered  }
0x9d: {  	s23 =	simm.s32 $0x1BFF;
	s22 =	sshll.u32 s8, $0x1;
	s5 =	sadd.s32 s6, s20  }
0x9e: {  	s9 =	simm.s32 $0x0;
	s21 =	sshll.u32 s7, $0x1;
	s7 =	sadd.s32 s22, s5  }
0x9f: {  	[timem:s9], [sflag:s23] =	dma.local [hbm:s7], s21  }
0xa0: {  	_ =	swait.ge [sflag:s23], s21  }
0xa1: {  	s6 =	ssub.s32 $0x0, s21;
	[sflag:s23] =	ssyncset.done $0x0  }
0xa2: {  	[sflag:s23] =	ssyncadd.s32 s6;
	_ =	sdelay $0x1  }
0xa3: {  	s24 =	simm.s32 $0x1B8B  }
0xa4: {  	_ =	swait.ge [sflag:s24], $0x1  }
0xa5: {  	[sflag:s24] =	ssyncset.done $0x0  }
0xa6: {  	s25 =	simm.s32 $0x1B8E;
	[sflag:s24] =	ssyncadd.s32 $0xFFFFFFFF  }
0xa7: {  	s26 =	simm.s32 $execute0_lowered;
	[smem:$0x3FD2] =	sst s25  }
0xa8: {  	s6 =	sshll.u32 s26, $0x1;
	_ =	strace $0x80000046;
	[dreg:$0x1] =	wrdreg $0xFFFFFFFF  }
0xa9: {  	s28 =	simm.s32 $_size_execute0_lowered;
	s5 =	sadd.s32 s5, s6;
	[dreg:$0x0] =	wrdreg $0x0  }
0xaa: {  	s6 =	sshll.u32 s28, $0x1;
	[dreg:$0x2] =	wrdreg s5  }
0xab: {  	[dreg:$0x3] =	wrdreg s6  }
0xac: {  	[dreg:$0x4] =	wrdreg $0xC0  }
0xad: {  	_ =	task [dreg:s9], $0x5FFFF  }
0xae: {  	[dreg:$0x1] =	wrdreg $0xFFFFFFFF  }
0xaf: {  	[dreg:$0x0] =	wrdreg $0x60  }
0xb0: {  	[dreg:$0x2] =	wrdreg s2  }
0xb1: {  	[dreg:$0x3] =	wrdreg s19  }
0xb2: {  	[dreg:$0x4] =	wrdreg s4  }
0xb3: {  	[dreg:$0x5] =	wrdreg $0x9  }
0xb4: {  	_ =	task.clear_ibuf [dreg:s9], $0x6FFFF;
	_ =	strace $0x90000046  }
0xb5: {  	s29 =	simm.s32 $0x9;
	_ =	strace $0x80000048  }
0xb6: {  	_ =	swait.ge [sflag:s29], $0x1  }
0xb7: {  	[sflag:s29] =	ssyncadd.s32 $0xFFFFFFFF  }
0xb8: {  	_ =	strace $0x90000048  }
0xb9: {  	_ =	sfence  }
0xba: {  	s30 =	sld [smem:$0x0];
	_ =	sdelay $0x2  }
0xbb: {  	s31 =	sshll.u32 s1, $0xD;
	s1 =	sshrl.u32 s1, $0x2  }
0xbc: {  	s3 =	sand.u32 $0x4000, s31;
	s1 =	sadd.s32 s1, s30  }
0xbd: {  	s0 =	sor.u32 s3, s0;
	s1 =	sshll.u32 s1, $0x11  }
0xbe: {  	s0 =	sor.u32 s1, s0  }
0xbf: {  	s0 =	sadd.s32 $0x8F2B, s0  }
0xc0: {  	[sflag:s0] =	ssyncadd.remote.s32 $0x1  }
0xc1: {  	_ =	sfence.sel $0xFFFF  }
0xc2: {  	[dreg:$0x0] =	wrdreg $0xFFFFFFFF;
	(pc) =	sbr.abs _section_cstart, $3  }
0xc3: {  	[dreg:$0x1] =	wrdreg $0xFFFFFFFF  }
0xc4: {  	_ =	task.clear_ibuf [dreg:s9], $0x2FFFF;
	_ =	strace $0x9FFFFFFF  }
0xc5: {  	(tm) =	ssettm $0x7FFFFFFF  }
tec
execute0_lowered:
.L_overlay_start_1:
0x0: {  	(tag) =	ssettag $0x1  }
0x1: {  	s0 =	rddreg [dreg:$0x0]  }
0x2: {  	s1 =	rddreg [dreg:$0x1]  }
0x3: {  	s2 =	rddreg [dreg:$0x2]  }
0x4: {  	s4 =	srdreg.scid;
	s3 =	simm.s32 $0x0;
	s10 =	stileid.u32  }
0x5: {  	s11 =	simm.s32 $0x1000;
	s28 =	simm.s32 $0x9000;
	s29 =	simm.s32 $0x9800  }
0x6: {  	s30 =	simm.s32 $0xA000;
	s31 =	simm.s32 $0xA800;
	s12 =	simm.s32 $0xC000  }
0x7: {  	s13 =	simm.s32 $0xC800;
	s14 =	simm.s32 $0xD000;
	s15 =	simm.s32 $0xD800  }
0x8: {  	s16 =	simm.s32 $0xE000;
	s17 =	simm.s32 $0xE800;
	s18 =	simm.s32 $0xF000  }
0x9: {  	s19 =	simm.s32 $0xF800;
	s20 =	simm.s32 $0x10000;
	s21 =	simm.s32 $0x10800  }
0xa: {  	s22 =	simm.s32 $0x1;
	s4 =	sand.u32 $0x1, s4;
	[smem:$0x7FF] =	sst s3  }
0xb: {  	s7 =	sshll.u32 s10, $0xA;
	s24 =	sshll.u32 s10, $0x12;
	s10 =	simm.s32 $0x3  }
0xc: {  	s5 =	ssub.s32 $0x2, s4;
	s8 =	sshll.u32 s4, $0x9;
	_ =	strace $0x80000047  }
0xd: {  	s25 =	sshll.u32 s4, $0x11;
	s6 =	sshrl.u32 s5, $0x1;
	s23 =	sor.u32 s8, s7  }
.Ltmp0:
0xe: {  	s7 =	sadd.s32 $0x300, s1;
	s8 =	simm.s32 $0x0;
	(pc) =	sbr.rel .LBB2_1-.Ltmp0, $4  }
0xf: {  	s9 =	ssub.s32 s5, s6;
	s0 =	sadd.s32 s0, s23;
	s5 =	sadd.s32 $0x100, s1  }
0x10: {  	v2 =	vlaneseq.u32;
	s6 =	sadd.s32 $0x200, s1;
	s23 =	simm.s32 $0x2;
	[dreg:$0x4] =	wrdreg s0  }
0x11: {  	vm0 =	vmmov $0xffff;
	v1 =	vshrl.u32 v2, $0x3;
	s0 =	sadd.s32 s24, s2;
	s26 =	smax.u32 s9, $0x1;
	s2 =	simm.s32 $0xB800  }
0x12: {  	v0 =	vand.u32 $0x7, v2;
	v2 =	vor.u32 $0x8, v2;
	v1 =	vmul.u32 $0x8, v1;
	[dreg:$0x5] =	wrdreg s26;
	s9 =	sadd.s32 s25, s0;
	s0 =	simm.s32 $0xB000  }
.LBB2_4:
0x13: {  	s8 =	rddreg [dreg:$0x6]  }
0x14: {  	s4 =	rddreg [dreg:$0x5];
	s8 =	sadd.s32 $0x1, s8  }
0x15: {  	p0 =	sne.s32 s8, s4  }
.Ltmp1:
0x16: {  	_ = 	snop;
	(pc) =	sbr.rel @!p0 .LBB2_5-.Ltmp1, $1  }
0x17: {  	_ =	sdelay $0x3  }
.LBB2_1:
0x18: {  	[dreg:$0x6] =	wrdreg s8  }
0x19: {  	s4 =	rddreg [dreg:$0x4]  }
0x1a: {  	[tilespmem:s3], [sflag:$0x3] =	stream.linear.gather [hbm4b:s4+s3], $0x1000, $0x38;
	[tilespmem:$0x11000] =	vst v63  }
0x1b: {  	_ =	swait.ge [sflag:s10], $0x1000  }
0x1c: {  	[sflag:s10] =	ssyncset.done $0x0  }
0x1d: {  	[sflag:s10] =	ssyncadd.s32 $0xFFFFF000  }
0x1e: {  	v3 =	vld [tilespmem:$0x0];
	_ =	sdelay $0x4  }
0x1f: {  	v4 =	vshll.u32 v3, $0x3  }
0x20: {  	v3 =	vand.u32 $0x7, v3;
	v4 =	vand.u32 $0xFFFFFFC0, v4  }
0x21: {  	v3 =	vor.u32 v3, v4  }
0x22: {  	v4 =	vperm.xlane v3, v0;
	_ =	sdelay $0x1  }
0x23: {  	v4 =	vadd.s32 v1, v4;
	_ =	sdelay $0x4  }
0x24: {  	[tilespmem:s11], [sflag:$0x1] =	stream.indirect_vreg.gather [hbm4b:s1+s3], $0x80, v4, vm0, $0xb8;
	[tilespmem:$0x11000] =	vst v63  }
0x25: {  	s24 =	simm.s32 $0x1800;
	v3 =	vperm.xlane v3, v2  }
0x26: {  	[tilespmem:s24], [sflag:$0x1] =	stream.indirect_vreg.gather [hbm4b:s5+s3], $0x80, v4, vm0, $0xb8;
	[tilespmem:$0x11000] =	vst v63  }
0x27: {  	s25 =	simm.s32 $0x2000;
	v3 =	vadd.s32 v1, v3  }
0x28: {  	[tilespmem:s25], [sflag:$0x1] =	stream.indirect_vreg.gather [hbm4b:s6+s3], $0x80, v4, vm0, $0xb8;
	[tilespmem:$0x11000] =	vst v63  }
0x29: {  	s26 =	simm.s32 $0x2800  }
0x2a: {  	[tilespmem:s26], [sflag:$0x1] =	stream.indirect_vreg.gather [hbm4b:s7+s3], $0x80, v4, vm0, $0xb8;
	[tilespmem:$0x11000] =	vst v63  }
0x2b: {  	s8 =	simm.s32 $0x3000  }
0x2c: {  	[tilespmem:s8], [sflag:$0x1] =	stream.indirect_vreg.gather [hbm4b:s1+s3], $0x80, v3, vm0, $0xb8;
	[tilespmem:$0x11000] =	vst v63  }
0x2d: {  	s24 =	simm.s32 $0x3800  }
0x2e: {  	[tilespmem:s24], [sflag:$0x1] =	stream.indirect_vreg.gather [hbm4b:s5+s3], $0x80, v3, vm0, $0xb8;
	[tilespmem:$0x11000] =	vst v63  }
0x2f: {  	s25 =	simm.s32 $0x4000  }
0x30: {  	[tilespmem:s25], [sflag:$0x1] =	stream.indirect_vreg.gather [hbm4b:s6+s3], $0x80, v3, vm0, $0xb8;
	[tilespmem:$0x11000] =	vst v63  }
0x31: {  	s26 =	simm.s32 $0x4800  }
0x32: {  	[tilespmem:s26], [sflag:$0x1] =	stream.indirect_vreg.gather [hbm4b:s7+s3], $0x80, v3, vm0, $0xb8;
	[tilespmem:$0x11000] =	vst v63  }
0x33: {  	v3 =	vld [tilespmem:$0x10];
	_ =	sdelay $0x4  }
0x34: {  	v61 =	vshll.u32 v3, $0x3  }
0x35: {  	v3 =	vand.u32 $0x7, v3;
	v4 =	vand.u32 $0xFFFFFFC0, v61  }
0x36: {  	v3 =	vor.u32 v3, v4  }
0x37: {  	v4 =	vperm.xlane v3, v0;
	_ =	sdelay $0x1  }
0x38: {  	v4 =	vadd.s32 v1, v4;
	_ =	sdelay $0x3  }
0x39: {  	s8 =	simm.s32 $0x5000  }
0x3a: {  	[tilespmem:s8], [sflag:$0x1] =	stream.indirect_vreg.gather [hbm4b:s1+s3], $0x80, v4, vm0, $0xb8;
	[tilespmem:$0x11000] =	vst v63  }
0x3b: {  	s24 =	simm.s32 $0x5800;
	v3 =	vperm.xlane v3, v2  }
0x3c: {  	[tilespmem:s24], [sflag:$0x1] =	stream.indirect_vreg.gather [hbm4b:s5+s3], $0x80, v4, vm0, $0xb8;
	[tilespmem:$0x11000] =	vst v63  }
0x3d: {  	s25 =	simm.s32 $0x6000;
	v3 =	vadd.s32 v1, v3  }
0x3e: {  	[tilespmem:s25], [sflag:$0x1] =	stream.indirect_vreg.gather [hbm4b:s6+s3], $0x80, v4, vm0, $0xb8;
	[tilespmem:$0x11000] =	vst v63  }
0x3f: {  	s26 =	simm.s32 $0x6800  }
0x40: {  	[tilespmem:s26], [sflag:$0x1] =	stream.indirect_vreg.gather [hbm4b:s7+s3], $0x80, v4, vm0, $0xb8;
	[tilespmem:$0x11000] =	vst v63  }
0x41: {  	s8 =	simm.s32 $0x7000  }
0x42: {  	[tilespmem:s8], [sflag:$0x1] =	stream.indirect_vreg.gather [hbm4b:s1+s3], $0x80, v3, vm0, $0xb8;
	[tilespmem:$0x11000] =	vst v63  }
0x43: {  	s24 =	simm.s32 $0x7800  }
0x44: {  	[tilespmem:s24], [sflag:$0x1] =	stream.indirect_vreg.gather [hbm4b:s5+s3], $0x80, v3, vm0, $0xb8;
	[tilespmem:$0x11000] =	vst v63  }
0x45: {  	s25 =	simm.s32 $0x8000  }
0x46: {  	[tilespmem:s25], [sflag:$0x1] =	stream.indirect_vreg.gather [hbm4b:s6+s3], $0x80, v3, vm0, $0xb8;
	[tilespmem:$0x11000] =	vst v63  }
0x47: {  	s26 =	simm.s32 $0x8800  }
0x48: {  	[tilespmem:s26], [sflag:$0x1] =	stream.indirect_vreg.gather [hbm4b:s7+s3], $0x80, v3, vm0, $0xb8;
	[tilespmem:$0x11000] =	vst v63  }
0x49: {  	v3 =	vld [tilespmem:$0x80];
	_ =	sdelay $0x4  }
0x4a: {  	v62 =	vshll.u32 v3, $0x3  }
0x4b: {  	v3 =	vand.u32 $0x7, v3;
	v4 =	vand.u32 $0xFFFFFFC0, v62  }
0x4c: {  	v3 =	vor.u32 v3, v4  }
0x4d: {  	v4 =	vperm.xlane v3, v0;
	_ =	sdelay $0x1  }
0x4e: {  	v4 =	vadd.s32 v1, v4;
	_ =	sdelay $0x4  }
0x4f: {  	[tilespmem:s28], [sflag:$0x2] =	stream.indirect_vreg.gather [hbm4b:s1+s3], $0x80, v4, vm0, $0xb8;
	[tilespmem:$0x11000] =	vst v63  }
0x50: {  	v3 =	vperm.xlane v3, v2  }
0x51: {  	[tilespmem:s29], [sflag:$0x2] =	stream.indirect_vreg.gather [hbm4b:s5+s3], $0x80, v4, vm0, $0xb8;
	[tilespmem:$0x11000] =	vst v63  }
0x52: {  	v3 =	vadd.s32 v1, v3  }
0x53: {  	[tilespmem:s30], [sflag:$0x2] =	stream.indirect_vreg.gather [hbm4b:s6+s3], $0x80, v4, vm0, $0xb8;
	[tilespmem:$0x11000] =	vst v63  }
0x54: {  	_ = 	snop  }
0x55: {  	[tilespmem:s31], [sflag:$0x2] =	stream.indirect_vreg.gather [hbm4b:s7+s3], $0x80, v4, vm0, $0xb8;
	[tilespmem:$0x11000] =	vst v63  }
0x56: {  	_ = 	snop  }
0x57: {  	[tilespmem:s0], [sflag:$0x2] =	stream.indirect_vreg.gather [hbm4b:s1+s3], $0x80, v3, vm0, $0xb8;
	[tilespmem:$0x11000] =	vst v63  }
0x58: {  	_ = 	snop  }
0x59: {  	[tilespmem:s2], [sflag:$0x2] =	stream.indirect_vreg.gather [hbm4b:s5+s3], $0x80, v3, vm0, $0xb8;
	[tilespmem:$0x11000] =	vst v63  }
0x5a: {  	_ = 	snop  }
0x5b: {  	[tilespmem:s12], [sflag:$0x2] =	stream.indirect_vreg.gather [hbm4b:s6+s3], $0x80, v3, vm0, $0xb8;
	[tilespmem:$0x11000] =	vst v63  }
0x5c: {  	_ = 	snop  }
0x5d: {  	[tilespmem:s13], [sflag:$0x2] =	stream.indirect_vreg.gather [hbm4b:s7+s3], $0x80, v3, vm0, $0xb8;
	[tilespmem:$0x11000] =	vst v63  }
0x5e: {  	v3 =	vld [tilespmem:$0x90];
	_ =	sdelay $0x4  }
0x5f: {  	v63 =	vshll.u32 v3, $0x3  }
0x60: {  	v3 =	vand.u32 $0x7, v3;
	v4 =	vand.u32 $0xFFFFFFC0, v63  }
0x61: {  	v3 =	vor.u32 v3, v4  }
0x62: {  	v4 =	vperm.xlane v3, v0;
	_ =	sdelay $0x1  }
0x63: {  	v4 =	vadd.s32 v1, v4;
	_ =	sdelay $0x4  }
0x64: {  	[tilespmem:s14], [sflag:$0x2] =	stream.indirect_vreg.gather [hbm4b:s1+s3], $0x80, v4, vm0, $0xb8;
	[tilespmem:$0x11000] =	vst v63  }
0x65: {  	v3 =	vperm.xlane v3, v2  }
0x66: {  	[tilespmem:s15], [sflag:$0x2] =	stream.indirect_vreg.gather [hbm4b:s5+s3], $0x80, v4, vm0, $0xb8;
	[tilespmem:$0x11000] =	vst v63  }
0x67: {  	v3 =	vadd.s32 v1, v3  }
0x68: {  	[tilespmem:s16], [sflag:$0x2] =	stream.indirect_vreg.gather [hbm4b:s6+s3], $0x80, v4, vm0, $0xb8;
	[tilespmem:$0x11000] =	vst v63  }
0x69: {  	_ = 	snop  }
0x6a: {  	[tilespmem:s17], [sflag:$0x2] =	stream.indirect_vreg.gather [hbm4b:s7+s3], $0x80, v4, vm0, $0xb8;
	[tilespmem:$0x11000] =	vst v63  }
0x6b: {  	_ = 	snop  }
0x6c: {  	[tilespmem:s18], [sflag:$0x2] =	stream.indirect_vreg.gather [hbm4b:s1+s3], $0x80, v3, vm0, $0xb8;
	[tilespmem:$0x11000] =	vst v63  }
0x6d: {  	_ = 	snop  }
0x6e: {  	[tilespmem:s19], [sflag:$0x2] =	stream.indirect_vreg.gather [hbm4b:s5+s3], $0x80, v3, vm0, $0xb8;
	[tilespmem:$0x11000] =	vst v63  }
0x6f: {  	_ = 	snop  }
0x70: {  	[tilespmem:s20], [sflag:$0x2] =	stream.indirect_vreg.gather [hbm4b:s6+s3], $0x80, v3, vm0, $0xb8;
	[tilespmem:$0x11000] =	vst v63  }
0x71: {  	s25 =	simm.s32 $0x190;
	s26 =	simm.s32 $0x0  }
0x72: {  	[tilespmem:s21], [sflag:$0x2] =	stream.indirect_vreg.gather [hbm4b:s7+s3], $0x80, v3, vm0, $0xb8;
	[tilespmem:$0x11000] =	vst v63  }
.LBB2_2:
0x73: {  	_ =	swait.ge [sflag:s22], $0x8000  }
0x74: {  	[sflag:s22] =	ssyncset.done $0x0  }
0x75: {  	s4 =	sadd.s32 s26, s9;
	[sflag:s22] =	ssyncadd.s32 $0xFFFF8000  }
0x76: {  	[hbm4b:s4+s3] =	stream.linear.scatter [tilespmem:s11], [sflag:$0x3], $0x8000, $0x38;
	[tilespmem:$0x11000] =	vst v63  }
0x77: {  	_ =	swait.ge [sflag:s10], $0x8000  }
0x78: {  	[sflag:s10] =	ssyncset.done $0x0  }
0x79: {  	p0 =	seq.s32 s26, $0x1E000;
	[sflag:s10] =	ssyncadd.s32 $0xFFFF8000  }
0x7a: {  	v3 =	vld @!p0 [tilespmem:s25+$0xFFFFFF70];
	_ =	sdelay $0x4  }
0x7b: {  	v4 =	vshll.u32 @!p0 v3, $0x3  }
0x7c: {  	v5 =	vlaneseq.u32 @!p0;
	v3 =	vand.u32 @!p0 $0x7, v3;
	v4 =	vand.u32 @!p0 $0xFFFFFFC0, v4  }
0x7d: {  	v6 =	vshrl.u32 @!p0 v5, $0x3;
	v3 =	vor.u32 @!p0 v3, v4;
	v4 =	vand.u32 @!p0 $0x7, v5  }
0x7e: {  	v6 =	vmul.u32 @!p0 $0x8, v6;
	v7 =	vperm.xlane @!p0 v3, v4;
	_ =	sdelay $0x1  }
0x7f: {  	v7 =	vadd.s32 @!p0 v6, v7;
	_ =	sdelay $0x3  }
0x80: {  	vm1 =	vmmov @!p0 $0xffff;
	s8 =	simm.s32 @!p0 $0x0;
	s24 =	simm.s32 @!p0 $0x1000  }
0x81: {  	v5 =	vor.u32 @!p0 $0x8, v5;
	[tilespmem:s24], [sflag:$0x1] =	stream.indirect_vreg.gather @!p0 [hbm4b:s1+s8], $0x80, v7, vm1, $0xb8;
	[tilespmem:$0x11000] =	vst v63  }
0x82: {  	v3 =	vperm.xlane @!p0 v3, v5;
	s24 =	simm.s32 @!p0 $0x1800  }
0x83: {  	[tilespmem:s24], [sflag:$0x1] =	stream.indirect_vreg.gather @!p0 [hbm4b:s5+s8], $0x80, v7, vm1, $0xb8;
	[tilespmem:$0x11000] =	vst v63  }
0x84: {  	v3 =	vadd.s32 @!p0 v6, v3;
	s24 =	simm.s32 @!p0 $0x2000  }
0x85: {  	[tilespmem:s24], [sflag:$0x1] =	stream.indirect_vreg.gather @!p0 [hbm4b:s6+s8], $0x80, v7, vm1, $0xb8;
	[tilespmem:$0x11000] =	vst v63  }
0x86: {  	s24 =	simm.s32 @!p0 $0x2800  }
0x87: {  	[tilespmem:s24], [sflag:$0x1] =	stream.indirect_vreg.gather @!p0 [hbm4b:s7+s8], $0x80, v7, vm1, $0xb8;
	[tilespmem:$0x11000] =	vst v63  }
0x88: {  	s24 =	simm.s32 @!p0 $0x3000  }
0x89: {  	[tilespmem:s24], [sflag:$0x1] =	stream.indirect_vreg.gather @!p0 [hbm4b:s1+s8], $0x80, v3, vm1, $0xb8;
	[tilespmem:$0x11000] =	vst v63  }
0x8a: {  	s24 =	simm.s32 @!p0 $0x3800  }
0x8b: {  	[tilespmem:s24], [sflag:$0x1] =	stream.indirect_vreg.gather @!p0 [hbm4b:s5+s8], $0x80, v3, vm1, $0xb8;
	[tilespmem:$0x11000] =	vst v63  }
0x8c: {  	s24 =	simm.s32 @!p0 $0x4000  }
0x8d: {  	[tilespmem:s24], [sflag:$0x1] =	stream.indirect_vreg.gather @!p0 [hbm4b:s6+s8], $0x80, v3, vm1, $0xb8;
	[tilespmem:$0x11000] =	vst v63  }
0x8e: {  	s24 =	simm.s32 @!p0 $0x4800  }
0x8f: {  	[tilespmem:s24], [sflag:$0x1] =	stream.indirect_vreg.gather @!p0 [hbm4b:s7+s8], $0x80, v3, vm1, $0xb8;
	[tilespmem:$0x11000] =	vst v63  }
0x90: {  	v3 =	vld @!p0 [tilespmem:s25+$0xFFFFFF80];
	_ =	sdelay $0x4  }
0x91: {  	v7 =	vshll.u32 @!p0 v3, $0x3  }
0x92: {  	v3 =	vand.u32 @!p0 $0x7, v3;
	v7 =	vand.u32 @!p0 $0xFFFFFFC0, v7  }
0x93: {  	v3 =	vor.u32 @!p0 v3, v7  }
0x94: {  	v4 =	vperm.xlane @!p0 v3, v4;
	_ =	sdelay $0x1  }
0x95: {  	v4 =	vadd.s32 @!p0 v6, v4;
	_ =	sdelay $0x3  }
0x96: {  	s24 =	simm.s32 @!p0 $0x5000  }
0x97: {  	[tilespmem:s24], [sflag:$0x1] =	stream.indirect_vreg.gather @!p0 [hbm4b:s1+s8], $0x80, v4, vm1, $0xb8;
	[tilespmem:$0x11000] =	vst v63  }
0x98: {  	v3 =	vperm.xlane @!p0 v3, v5;
	s24 =	simm.s32 @!p0 $0x5800  }
0x99: {  	[tilespmem:s24], [sflag:$0x1] =	stream.indirect_vreg.gather @!p0 [hbm4b:s5+s8], $0x80, v4, vm1, $0xb8;
	[tilespmem:$0x11000] =	vst v63  }
0x9a: {  	v3 =	vadd.s32 @!p0 v6, v3;
	s24 =	simm.s32 @!p0 $0x6000  }
0x9b: {  	[tilespmem:s24], [sflag:$0x1] =	stream.indirect_vreg.gather @!p0 [hbm4b:s6+s8], $0x80, v4, vm1, $0xb8;
	[tilespmem:$0x11000] =	vst v63  }
0x9c: {  	s24 =	simm.s32 @!p0 $0x6800  }
0x9d: {  	[tilespmem:s24], [sflag:$0x1] =	stream.indirect_vreg.gather @!p0 [hbm4b:s7+s8], $0x80, v4, vm1, $0xb8;
	[tilespmem:$0x11000] =	vst v63  }
0x9e: {  	s24 =	simm.s32 @!p0 $0x7000  }
0x9f: {  	[tilespmem:s24], [sflag:$0x1] =	stream.indirect_vreg.gather @!p0 [hbm4b:s1+s8], $0x80, v3, vm1, $0xb8;
	[tilespmem:$0x11000] =	vst v63  }
0xa0: {  	s24 =	simm.s32 @!p0 $0x7800  }
0xa1: {  	[tilespmem:s24], [sflag:$0x1] =	stream.indirect_vreg.gather @!p0 [hbm4b:s5+s8], $0x80, v3, vm1, $0xb8;
	[tilespmem:$0x11000] =	vst v63  }
0xa2: {  	s24 =	simm.s32 @!p0 $0x8000  }
0xa3: {  	[tilespmem:s24], [sflag:$0x1] =	stream.indirect_vreg.gather @!p0 [hbm4b:s6+s8], $0x80, v3, vm1, $0xb8;
	[tilespmem:$0x11000] =	vst v63  }
0xa4: {  	s24 =	simm.s32 @!p0 $0x8800  }
0xa5: {  	[tilespmem:s24], [sflag:$0x1] =	stream.indirect_vreg.gather @!p0 [hbm4b:s7+s8], $0x80, v3, vm1, $0xb8;
	[tilespmem:$0x11000] =	vst v63  }
0xa6: {  	_ =	swait.ge [sflag:s23], $0x8000  }
0xa7: {  	[sflag:s23] =	ssyncset.done $0x0  }
.Ltmp2:
0xa8: {  	s4 =	sadd.s32 $0x1000, s4;
	[sflag:s23] =	ssyncadd.s32 $0xFFFF8000;
	(pc) =	sbr.rel @p0 .LBB2_4-.Ltmp2, $4  }
0xa9: {  	[hbm4b:s4+s3] =	stream.linear.scatter [tilespmem:s28], [sflag:$0x3], $0x8000, $0x38;
	[tilespmem:$0x11000] =	vst v63  }
0xaa: {  	_ =	swait.ge [sflag:s10], $0x8000  }
0xab: {  	[sflag:s10] =	ssyncset.done $0x0  }
0xac: {  	[sflag:s10] =	ssyncadd.s32 $0xFFFF8000  }
0xad: {  	v3 =	vld [tilespmem:s25+$0xFFFFFFF0];
	_ =	sdelay $0x4  }
0xae: {  	v4 =	vshll.u32 v3, $0x3  }
0xaf: {  	v3 =	vand.u32 $0x7, v3;
	v4 =	vand.u32 $0xFFFFFFC0, v4  }
0xb0: {  	v3 =	vor.u32 v3, v4  }
0xb1: {  	v4 =	vperm.xlane v3, v0;
	_ =	sdelay $0x1  }
0xb2: {  	v4 =	vadd.s32 v1, v4;
	_ =	sdelay $0x4  }
0xb3: {  	[tilespmem:s28], [sflag:$0x2] =	stream.indirect_vreg.gather [hbm4b:s1+s3], $0x80, v4, vm0, $0xb8;
	[tilespmem:$0x11000] =	vst v63  }
0xb4: {  	v3 =	vperm.xlane v3, v2  }
0xb5: {  	[tilespmem:s29], [sflag:$0x2] =	stream.indirect_vreg.gather [hbm4b:s5+s3], $0x80, v4, vm0, $0xb8;
	[tilespmem:$0x11000] =	vst v63  }
0xb6: {  	v3 =	vadd.s32 v1, v3  }
0xb7: {  	[tilespmem:s30], [sflag:$0x2] =	stream.indirect_vreg.gather [hbm4b:s6+s3], $0x80, v4, vm0, $0xb8;
	[tilespmem:$0x11000] =	vst v63  }
0xb8: {  	_ = 	snop  }
0xb9: {  	[tilespmem:s31], [sflag:$0x2] =	stream.indirect_vreg.gather [hbm4b:s7+s3], $0x80, v4, vm0, $0xb8;
	[tilespmem:$0x11000] =	vst v63  }
0xba: {  	_ = 	snop  }
0xbb: {  	[tilespmem:s0], [sflag:$0x2] =	stream.indirect_vreg.gather [hbm4b:s1+s3], $0x80, v3, vm0, $0xb8;
	[tilespmem:$0x11000] =	vst v63  }
0xbc: {  	_ = 	snop  }
0xbd: {  	[tilespmem:s2], [sflag:$0x2] =	stream.indirect_vreg.gather [hbm4b:s5+s3], $0x80, v3, vm0, $0xb8;
	[tilespmem:$0x11000] =	vst v63  }
0xbe: {  	_ = 	snop  }
0xbf: {  	[tilespmem:s12], [sflag:$0x2] =	stream.indirect_vreg.gather [hbm4b:s6+s3], $0x80, v3, vm0, $0xb8;
	[tilespmem:$0x11000] =	vst v63  }
0xc0: {  	_ = 	snop  }
0xc1: {  	[tilespmem:s13], [sflag:$0x2] =	stream.indirect_vreg.gather [hbm4b:s7+s3], $0x80, v3, vm0, $0xb8;
	[tilespmem:$0x11000] =	vst v63  }
0xc2: {  	v3 =	vld [tilespmem:s25+$0x0];
	_ =	sdelay $0x4  }
0xc3: {  	v63 =	vshll.u32 v3, $0x3  }
0xc4: {  	v3 =	vand.u32 $0x7, v3;
	v4 =	vand.u32 $0xFFFFFFC0, v63  }
0xc5: {  	v3 =	vor.u32 v3, v4  }
0xc6: {  	v4 =	vperm.xlane v3, v0;
	_ =	sdelay $0x1  }
0xc7: {  	v4 =	vadd.s32 v1, v4;
	_ =	sdelay $0x4  }
0xc8: {  	[tilespmem:s14], [sflag:$0x2] =	stream.indirect_vreg.gather [hbm4b:s1+s3], $0x80, v4, vm0, $0xb8;
	[tilespmem:$0x11000] =	vst v63  }
0xc9: {  	v3 =	vperm.xlane v3, v2  }
0xca: {  	[tilespmem:s15], [sflag:$0x2] =	stream.indirect_vreg.gather [hbm4b:s5+s3], $0x80, v4, vm0, $0xb8;
	[tilespmem:$0x11000] =	vst v63  }
0xcb: {  	v3 =	vadd.s32 v1, v3  }
0xcc: {  	[tilespmem:s16], [sflag:$0x2] =	stream.indirect_vreg.gather [hbm4b:s6+s3], $0x80, v4, vm0, $0xb8;
	[tilespmem:$0x11000] =	vst v63  }
0xcd: {  	_ = 	snop  }
0xce: {  	[tilespmem:s17], [sflag:$0x2] =	stream.indirect_vreg.gather [hbm4b:s7+s3], $0x80, v4, vm0, $0xb8;
	[tilespmem:$0x11000] =	vst v63  }
0xcf: {  	_ = 	snop  }
0xd0: {  	[tilespmem:s18], [sflag:$0x2] =	stream.indirect_vreg.gather [hbm4b:s1+s3], $0x80, v3, vm0, $0xb8;
	[tilespmem:$0x11000] =	vst v63  }
0xd1: {  	_ = 	snop  }
0xd2: {  	[tilespmem:s19], [sflag:$0x2] =	stream.indirect_vreg.gather [hbm4b:s5+s3], $0x80, v3, vm0, $0xb8;
	[tilespmem:$0x11000] =	vst v63  }
.Ltmp3:
0xd3: {  	_ = 	snop;
	(pc) =	sbr.rel .LBB2_2-.Ltmp3, $4  }
0xd4: {  	_ = 	snop  }
0xd5: {  	[tilespmem:s20], [sflag:$0x2] =	stream.indirect_vreg.gather [hbm4b:s6+s3], $0x80, v3, vm0, $0xb8;
	[tilespmem:$0x11000] =	vst v63  }
0xd6: {  	s26 =	sadd.s32 $0x2000, s26;
	s25 =	sadd.s32 $0x100, s25  }
0xd7: {  	[tilespmem:s21], [sflag:$0x2] =	stream.indirect_vreg.gather [hbm4b:s7+s3], $0x80, v3, vm0, $0xb8;
	[tilespmem:$0x11000] =	vst v63  }
.LBB2_5:
0xd8: {  	_ =	sfence.sel $0x180000  }
0xd9: {  	[bflag:$0x0] =	sbarrier.arrive $0xFFFF  }
0xda: {  	_ =	strace $0x90000047  }
0xdb: {  	s0 =	stileid.u32;
	[bflag:$0x2] =	sbarrier.arrive $0xFFFF  }
0xdc: {  	p0 =	sne.s32 s0, $0x0;
	s0 =	rddreg [dreg:$0x3]  }
0xdd: {  	s0 =	sadd.s32 @!p0 $0x100000, s0  }
0xde: {  	[sflag:s0] =	ssyncadd.tile.s32 @!p0 $0x1;
	_ =	shalt  }
.Lfunc_end2:
_tile_overlayer_lowered:
.L_overlay_start_2:
0xdf: {  	(tag) =	ssettag $0x2  }
0xe0: {  	s0 =	rddreg [dreg:$0x0];
	s2 =	stileid.u32  }
0xe1: {  	s1 =	rddreg [dreg:$0x1];
	p0 =	sne.s32 s2, $0x0  }
0xe2: {  	s3 =	rddreg [dreg:$0x2];
	[bflag:$0x3] =	sbarrier.arrive $0xFFFF;
	s2 =	simm.s32 @!p0 $0x1C03  }
0xe3: {  	[timem:s3], [sflag:s2] =	dma.local @!p0 [hbm:s0], s1  }
0xe4: {  	s0 =	simm.s32 @!p0 $0x3  }
0xe5: {  	_ =	swait.ge @!p0 [sflag:s0], s1  }
0xe6: {  	s1 =	ssub.s32 @!p0 $0x0, s1;
	[sflag:s0] =	ssyncset.done @!p0 $0x0  }
0xe7: {  	[sflag:s0] =	ssyncadd.s32 @!p0 s1  }
0xe8: {  	[bflag:$0x3] =	sbarrier.arrive $0xFFFF  }
0xe9: {  	_ =	shalt  }

</sc_bundles>
